<compile_context>
chip_gen: v7x
topology: tpu7x:2x2x1
jax: 0.10.2.dev20260603
libtpu: 0.0.44.dev20260713+nightly
codegen_flags: <defaults>
</compile_context>

<pallas_src>
import functools

import jax
import jax.numpy as jnp
from jax import lax
from jax.experimental import pallas as pl
from jax.experimental.pallas import tpu as pltpu
from jax.experimental.pallas import tpu_sc as plsc

_D = 128
_NC = 2
_NS = 16
_NW = _NC * _NS


@functools.partial(jax.jit, static_argnums=(2, 3, 4))
def _gather_rows(table, flat_idx, n_rows, chunk, nbuf):
    n_per_w = n_rows // _NW
    n_chunks = n_per_w // chunk
    la = nbuf - 1
    mesh = plsc.VectorSubcoreMesh(core_axis_name="c", subcore_axis_name="s")

    @functools.partial(
        pl.kernel,
        out_type=jax.ShapeDtypeStruct((n_rows, _D), jnp.float32),
        mesh=mesh,
        scratch_types=[
            pltpu.VMEM((n_per_w,), jnp.int32),
            pltpu.VMEM((nbuf, chunk, _D), jnp.float32),
            pltpu.SemaphoreType.DMA((nbuf,)),
            pltpu.SemaphoreType.DMA((nbuf,)),
        ],
    )
    def gather_kernel(table_hbm, idx_hbm, out_hbm, idx_v, rows_v, sem_g, sem_s):
        wid = lax.axis_index("s") * _NC + lax.axis_index("c")
        base_w = pl.multiple_of(wid * n_per_w, 8)

        pltpu.sync_copy(idx_hbm.at[pl.ds(base_w, n_per_w)], idx_v)

        def start_gather(i, b):
            off = pl.multiple_of(i * chunk, 8)
            pltpu.async_copy(
                table_hbm.at[idx_v.at[pl.ds(off, chunk)]], rows_v.at[b], sem_g.at[b]
            )

        def wait_gather(b):
            pltpu.make_async_copy(
                table_hbm.at[idx_v.at[pl.ds(0, chunk)]], rows_v.at[b], sem_g.at[b]
            ).wait()

        def start_store(i, b):
            off = pl.multiple_of(base_w + i * chunk, 8)
            pltpu.async_copy(rows_v.at[b], out_hbm.at[pl.ds(off, chunk)], sem_s.at[b])

        def wait_store(b):
            pltpu.make_async_copy(
                rows_v.at[b], out_hbm.at[pl.ds(base_w, chunk)], sem_s.at[b]
            ).wait()

        for j in range(la):
            start_gather(j, j)

        wait_gather(0)
        start_store(0, 0)
        start_gather(la, nbuf - 1)

        def body(i, carry):
            b = lax.rem(i, nbuf)
            wait_gather(b)
            start_store(i, b)
            nb = lax.rem(i + la, nbuf)
            wait_store(nb)
            start_gather(i + la, nb)
            return carry

        lax.fori_loop(1, n_chunks - la, body, 0)

        def tail(i, carry):
            b = lax.rem(i, nbuf)
            wait_gather(b)
            start_store(i, b)
            return carry

        lax.fori_loop(n_chunks - la, n_chunks, tail, 0)

        def drain(i, carry):
            wait_store(lax.rem(i, nbuf))
            return carry

        lax.fori_loop(n_chunks - nbuf, n_chunks, drain, 0)

    return gather_kernel(table, flat_idx)


def kernel(inputs, table):
    b, s = inputs.shape
    n_rows = b * s
    flat_idx = inputs.reshape(n_rows).astype(jnp.int32)
    out = _gather_rows(table, flat_idx, n_rows, 128, 5)
    return out.reshape(b, s, _D)

# --- scband reference (transcript-rebuilt; emitter-appended) ---
"""Pipeline reference for scband-token-embeddings-48464410968064 (READ-ONLY COPY).

The authoritative reference and input builder live on the scoring server;
editing this copy changes nothing except your own understanding.
"""

import jax, jax.numpy as jnp
import numpy as np

VOCAB_SIZE = 100000
EMB_SIZE = 128

def setup_inputs(seed: int = 0) -> dict:
    key = jax.random.key(seed)
    k_idx, k_tab = jax.random.split(key)
    inputs = jax.random.randint(k_idx, (1024, 200), 0, VOCAB_SIZE, dtype=jnp.int64 if jax.config.jax_enable_x64 else jnp.int32)
    table = jax.random.normal(k_tab, (VOCAB_SIZE, EMB_SIZE), dtype=jnp.float32)
    return {"inputs": inputs, "table": table}

def reference(inputs, table):
    # nn.Embedding forward: gather rows of the embedding table
    embeds = jnp.take(table, inputs, axis=0)
    return embeds

if __name__ == "__main__":
    import jax
    _d = setup_inputs()
    print(jax.jit(kernel)(*tuple(_d.values())))

</pallas_src>

<mosaic_0001>
#map = affine_map<(d0, d1) -> (0, 0)>
#map1 = affine_map<(d0, d1) -> (0)>
module attributes {stable_mosaic.version = 14 : i64} {
  func.func @gather_kernel(%arg0: i32, %arg1: i32, %arg2: memref<100000x128xf32, #tpu.memory_space<hbm>>, %arg3: memref<204800xi32, #tpu.memory_space<hbm>>, %arg4: memref<204800x128xf32, #tpu.memory_space<hbm>>, %arg5: memref<6400xi32, #tpu.memory_space<vmem>>, %arg6: memref<5x128x128xf32, #tpu.memory_space<vmem>>, %arg7: memref<5x!tpu.dma_semaphore, #tpu.memory_space<semaphore_mem>>, %arg8: memref<5x!tpu.dma_semaphore, #tpu.memory_space<semaphore_mem>>) attributes {dimension_semantics = [#tpu.dimension_semantics<core_parallel>, #tpu.dimension_semantics<subcore_parallel>], iteration_bounds = array<i64: 2, 16>, scalar_prefetch = 0 : i64, scratch_operands = 4 : i64, tpu.core_type = #tpu.core_type<sc_vector_subcore>, window_params = [{transform_indices = #map}, {transform_indices = #map1}, {transform_indices = #map}]} {
    %mul3A = arith.constant 2 : i32
    %mul3A_0 = arith.muli %arg1, %mul3A : i32
    %add3A = arith.addi %mul3A_0, %arg0 : i32
    %mul3A_1 = arith.constant 6400 : i32
    %mul3A_2 = arith.muli %add3A, %mul3A_1 : i32
    %multiple_of3A = tpu.assume_multiple %mul3A_2, 8 : i32
    "tpu.region"() ({
      %run_scoped3A = tpu.sem_alloc : memref<!tpu.dma_semaphore, #tpu.memory_space<semaphore_mem>>
      %dma_start3A_120 = tpu.memref_slice %arg3[%multiple_of3A] : memref<204800xi32, #tpu.memory_space<hbm>> -> memref<6400xi32, #tpu.memory_space<hbm>>
      %dma_start3A_121 = tpu.memref_slice %arg3[%multiple_of3A] : memref<204800xi32, #tpu.memory_space<hbm>> -> memref<6400xi32, #tpu.memory_space<hbm>>
      tpu.enqueue_dma source(%dma_start3A_121 : memref<6400xi32, #tpu.memory_space<hbm>>) target(%arg5 : memref<6400xi32, #tpu.memory_space<vmem>>) target_semaphore(%run_scoped3A : memref<!tpu.dma_semaphore, #tpu.memory_space<semaphore_mem>>)
      %dma_wait3A_122 = tpu.memref_slice %arg3[%multiple_of3A] : memref<204800xi32, #tpu.memory_space<hbm>> -> memref<6400xi32, #tpu.memory_space<hbm>>
      %dma_wait3A_123 = tpu.memref_slice %arg3[%multiple_of3A] : memref<204800xi32, #tpu.memory_space<hbm>> -> memref<6400xi32, #tpu.memory_space<hbm>>
      tpu.wait_dma2 semaphore(%run_scoped3A : memref<!tpu.dma_semaphore, #tpu.memory_space<semaphore_mem>>) src(%dma_wait3A_123 : memref<6400xi32, #tpu.memory_space<hbm>>) dst(%arg5 : memref<6400xi32, #tpu.memory_space<vmem>>)
      tpu.yield
    }) : () -> ()
    %multiple_of3A_3 = arith.constant 0 : i32
    %multiple_of3A_4 = tpu.assume_multiple %multiple_of3A_3, 8 : i32
    %dma_start3A = arith.constant 0 : i32
    %dma_start3A_5 = arith.constant 0 : i32
    %dma_start3A_6 = arith.constant 0 : i32
    %dma_start3A_7 = arith.constant 0 : i32
    %dma_start3A_8 = tpu.memref_slice %arg6[%dma_start3A, %dma_start3A_6, %dma_start3A_7] : memref<5x128x128xf32, #tpu.memory_space<vmem>> -> memref<1x128x128xf32, #tpu.memory_space<vmem>>
    %dma_start3A_9 = tpu.memref_squeeze %dma_start3A_8 : memref<1x128x128xf32, #tpu.memory_space<vmem>> -> memref<128x128xf32, #tpu.memory_space<vmem>>
    %dma_start3A_10 = tpu.memref_slice %arg5[%multiple_of3A_4] : memref<6400xi32, #tpu.memory_space<vmem>> -> memref<128xi32, #tpu.memory_space<vmem>>
    %dma_start3A_11 = arith.constant 0 : i32
    %dma_start3A_12 = arith.constant 0 : i32
    %dma_start3A_13 = tpu.memref_slice %arg2[%dma_start3A_11, %dma_start3A_12] : memref<100000x128xf32, #tpu.memory_space<hbm>> -> memref<100000x128xf32, #tpu.memory_space<hbm>>
    %dma_start3A_14 = tpu.memref_slice %arg7[%dma_start3A_5] : memref<5x!tpu.dma_semaphore, #tpu.memory_space<semaphore_mem>> -> memref<1x!tpu.dma_semaphore, #tpu.memory_space<semaphore_mem>>
    %dma_start3A_15 = tpu.memref_squeeze %dma_start3A_14 : memref<1x!tpu.dma_semaphore, #tpu.memory_space<semaphore_mem>> -> memref<!tpu.dma_semaphore, #tpu.memory_space<semaphore_mem>>
    tpu.enqueue_indirect_dma source(%dma_start3A_13 : memref<100000x128xf32, #tpu.memory_space<hbm>>) target(%dma_start3A_9 : memref<128x128xf32, #tpu.memory_space<vmem>>) offsets(%dma_start3A_10 : memref<128xi32, #tpu.memory_space<vmem>>) semaphore(%dma_start3A_15 : memref<!tpu.dma_semaphore, #tpu.memory_space<semaphore_mem>>)
    %multiple_of3A_16 = arith.constant 128 : i32
    %multiple_of3A_17 = tpu.assume_multiple %multiple_of3A_16, 8 : i32
    %dma_start3A_18 = arith.constant 1 : i32
    %dma_start3A_19 = arith.constant 1 : i32
    %dma_start3A_20 = arith.constant 0 : i32
    %dma_start3A_21 = arith.constant 0 : i32
    %dma_start3A_22 = tpu.memref_slice %arg6[%dma_start3A_18, %dma_start3A_20, %dma_start3A_21] : memref<5x128x128xf32, #tpu.memory_space<vmem>> -> memref<1x128x128xf32, #tpu.memory_space<vmem>>
    %dma_start3A_23 = tpu.memref_squeeze %dma_start3A_22 : memref<1x128x128xf32, #tpu.memory_space<vmem>> -> memref<128x128xf32, #tpu.memory_space<vmem>>
    %dma_start3A_24 = tpu.memref_slice %arg5[%multiple_of3A_17] : memref<6400xi32, #tpu.memory_space<vmem>> -> memref<128xi32, #tpu.memory_space<vmem>>
    %dma_start3A_25 = arith.constant 0 : i32
    %dma_start3A_26 = arith.constant 0 : i32
    %dma_start3A_27 = tpu.memref_slice %arg2[%dma_start3A_25, %dma_start3A_26] : memref<100000x128xf32, #tpu.memory_space<hbm>> -> memref<100000x128xf32, #tpu.memory_space<hbm>>
    %dma_start3A_28 = tpu.memref_slice %arg7[%dma_start3A_19] : memref<5x!tpu.dma_semaphore, #tpu.memory_space<semaphore_mem>> -> memref<1x!tpu.dma_semaphore, #tpu.memory_space<semaphore_mem>>
    %dma_start3A_29 = tpu.memref_squeeze %dma_start3A_28 : memref<1x!tpu.dma_semaphore, #tpu.memory_space<semaphore_mem>> -> memref<!tpu.dma_semaphore, #tpu.memory_space<semaphore_mem>>
    tpu.enqueue_indirect_dma source(%dma_start3A_27 : memref<100000x128xf32, #tpu.memory_space<hbm>>) target(%dma_start3A_23 : memref<128x128xf32, #tpu.memory_space<vmem>>) offsets(%dma_start3A_24 : memref<128xi32, #tpu.memory_space<vmem>>) semaphore(%dma_start3A_29 : memref<!tpu.dma_semaphore, #tpu.memory_space<semaphore_mem>>)
    %multiple_of3A_30 = arith.constant 256 : i32
    %multiple_of3A_31 = tpu.assume_multiple %multiple_of3A_30, 8 : i32
    %dma_start3A_32 = arith.constant 2 : i32
    %dma_start3A_33 = arith.constant 2 : i32
    %dma_start3A_34 = arith.constant 0 : i32
    %dma_start3A_35 = arith.constant 0 : i32
    %dma_start3A_36 = tpu.memref_slice %arg6[%dma_start3A_32, %dma_start3A_34, %dma_start3A_35] : memref<5x128x128xf32, #tpu.memory_space<vmem>> -> memref<1x128x128xf32, #tpu.memory_space<vmem>>
    %dma_start3A_37 = tpu.memref_squeeze %dma_start3A_36 : memref<1x128x128xf32, #tpu.memory_space<vmem>> -> memref<128x128xf32, #tpu.memory_space<vmem>>
    %dma_start3A_38 = tpu.memref_slice %arg5[%multiple_of3A_31] : memref<6400xi32, #tpu.memory_space<vmem>> -> memref<128xi32, #tpu.memory_space<vmem>>
    %dma_start3A_39 = arith.constant 0 : i32
    %dma_start3A_40 = arith.constant 0 : i32
    %dma_start3A_41 = tpu.memref_slice %arg2[%dma_start3A_39, %dma_start3A_40] : memref<100000x128xf32, #tpu.memory_space<hbm>> -> memref<100000x128xf32, #tpu.memory_space<hbm>>
    %dma_start3A_42 = tpu.memref_slice %arg7[%dma_start3A_33] : memref<5x!tpu.dma_semaphore, #tpu.memory_space<semaphore_mem>> -> memref<1x!tpu.dma_semaphore, #tpu.memory_space<semaphore_mem>>
    %dma_start3A_43 = tpu.memref_squeeze %dma_start3A_42 : memref<1x!tpu.dma_semaphore, #tpu.memory_space<semaphore_mem>> -> memref<!tpu.dma_semaphore, #tpu.memory_space<semaphore_mem>>
    tpu.enqueue_indirect_dma source(%dma_start3A_41 : memref<100000x128xf32, #tpu.memory_space<hbm>>) target(%dma_start3A_37 : memref<128x128xf32, #tpu.memory_space<vmem>>) offsets(%dma_start3A_38 : memref<128xi32, #tpu.memory_space<vmem>>) semaphore(%dma_start3A_43 : memref<!tpu.dma_semaphore, #tpu.memory_space<semaphore_mem>>)
    %multiple_of3A_44 = arith.constant 384 : i32
    %multiple_of3A_45 = tpu.assume_multiple %multiple_of3A_44, 8 : i32
    %dma_start3A_46 = arith.constant 3 : i32
    %dma_start3A_47 = arith.constant 3 : i32
    %dma_start3A_48 = arith.constant 0 : i32
    %dma_start3A_49 = arith.constant 0 : i32
    %dma_start3A_50 = tpu.memref_slice %arg6[%dma_start3A_46, %dma_start3A_48, %dma_start3A_49] : memref<5x128x128xf32, #tpu.memory_space<vmem>> -> memref<1x128x128xf32, #tpu.memory_space<vmem>>
    %dma_start3A_51 = tpu.memref_squeeze %dma_start3A_50 : memref<1x128x128xf32, #tpu.memory_space<vmem>> -> memref<128x128xf32, #tpu.memory_space<vmem>>
    %dma_start3A_52 = tpu.memref_slice %arg5[%multiple_of3A_45] : memref<6400xi32, #tpu.memory_space<vmem>> -> memref<128xi32, #tpu.memory_space<vmem>>
    %dma_start3A_53 = arith.constant 0 : i32
    %dma_start3A_54 = arith.constant 0 : i32
    %dma_start3A_55 = tpu.memref_slice %arg2[%dma_start3A_53, %dma_start3A_54] : memref<100000x128xf32, #tpu.memory_space<hbm>> -> memref<100000x128xf32, #tpu.memory_space<hbm>>
    %dma_start3A_56 = tpu.memref_slice %arg7[%dma_start3A_47] : memref<5x!tpu.dma_semaphore, #tpu.memory_space<semaphore_mem>> -> memref<1x!tpu.dma_semaphore, #tpu.memory_space<semaphore_mem>>
    %dma_start3A_57 = tpu.memref_squeeze %dma_start3A_56 : memref<1x!tpu.dma_semaphore, #tpu.memory_space<semaphore_mem>> -> memref<!tpu.dma_semaphore, #tpu.memory_space<semaphore_mem>>
    tpu.enqueue_indirect_dma source(%dma_start3A_55 : memref<100000x128xf32, #tpu.memory_space<hbm>>) target(%dma_start3A_51 : memref<128x128xf32, #tpu.memory_space<vmem>>) offsets(%dma_start3A_52 : memref<128xi32, #tpu.memory_space<vmem>>) semaphore(%dma_start3A_57 : memref<!tpu.dma_semaphore, #tpu.memory_space<semaphore_mem>>)
    %dma_wait3A = arith.constant 0 : i32
    %dma_wait3A_58 = arith.constant 0 : i32
    %dma_wait3A_59 = arith.constant 0 : i32
    %dma_wait3A_60 = arith.constant 0 : i32
    %dma_wait3A_61 = tpu.memref_slice %arg6[%dma_wait3A, %dma_wait3A_59, %dma_wait3A_60] : memref<5x128x128xf32, #tpu.memory_space<vmem>> -> memref<1x128x128xf32, #tpu.memory_space<vmem>>
    %dma_wait3A_62 = tpu.memref_squeeze %dma_wait3A_61 : memref<1x128x128xf32, #tpu.memory_space<vmem>> -> memref<128x128xf32, #tpu.memory_space<vmem>>
    %dma_wait3A_63 = arith.constant 0 : i32
    %dma_wait3A_64 = tpu.memref_slice %arg5[%dma_wait3A_63] : memref<6400xi32, #tpu.memory_space<vmem>> -> memref<128xi32, #tpu.memory_space<vmem>>
    %dma_wait3A_65 = arith.constant 0 : i32
    %dma_wait3A_66 = arith.constant 0 : i32
    %dma_wait3A_67 = tpu.memref_slice %arg2[%dma_wait3A_65, %dma_wait3A_66] : memref<100000x128xf32, #tpu.memory_space<hbm>> -> memref<100000x128xf32, #tpu.memory_space<hbm>>
    %dma_wait3A_68 = tpu.memref_slice %arg7[%dma_wait3A_58] : memref<5x!tpu.dma_semaphore, #tpu.memory_space<semaphore_mem>> -> memref<1x!tpu.dma_semaphore, #tpu.memory_space<semaphore_mem>>
    %dma_wait3A_69 = tpu.memref_squeeze %dma_wait3A_68 : memref<1x!tpu.dma_semaphore, #tpu.memory_space<semaphore_mem>> -> memref<!tpu.dma_semaphore, #tpu.memory_space<semaphore_mem>>
    tpu.wait_indirect_dma semaphore(%dma_wait3A_69 : memref<!tpu.dma_semaphore, #tpu.memory_space<semaphore_mem>>) src(%dma_wait3A_67 : memref<100000x128xf32, #tpu.memory_space<hbm>>) dst(%dma_wait3A_62 : memref<128x128xf32, #tpu.memory_space<vmem>>)
    %add3A_70 = arith.constant 0 : i32
    %add3A_71 = arith.addi %multiple_of3A, %add3A_70 : i32
    %multiple_of3A_72 = tpu.assume_multiple %add3A_71, 8 : i32
    %dma_start3A_73 = arith.constant 0 : i32
    %dma_start3A_74 = arith.constant 0 : i32
    %dma_start3A_75 = arith.constant 0 : i32
    %dma_start3A_76 = arith.constant 0 : i32
    %dma_start3A_77 = tpu.memref_slice %arg6[%dma_start3A_73, %dma_start3A_75, %dma_start3A_76] : memref<5x128x128xf32, #tpu.memory_space<vmem>> -> memref<1x128x128xf32, #tpu.memory_space<vmem>>
    %dma_start3A_78 = tpu.memref_squeeze %dma_start3A_77 : memref<1x128x128xf32, #tpu.memory_space<vmem>> -> memref<128x128xf32, #tpu.memory_space<vmem>>
    %dma_start3A_79 = arith.constant 0 : i32
    %dma_start3A_80 = tpu.memref_slice %arg4[%multiple_of3A_72, %dma_start3A_79] : memref<204800x128xf32, #tpu.memory_space<hbm>> -> memref<128x128xf32, #tpu.memory_space<hbm>>
    %dma_start3A_81 = tpu.memref_slice %arg8[%dma_start3A_74] : memref<5x!tpu.dma_semaphore, #tpu.memory_space<semaphore_mem>> -> memref<1x!tpu.dma_semaphore, #tpu.memory_space<semaphore_mem>>
    %dma_start3A_82 = tpu.memref_squeeze %dma_start3A_81 : memref<1x!tpu.dma_semaphore, #tpu.memory_space<semaphore_mem>> -> memref<!tpu.dma_semaphore, #tpu.memory_space<semaphore_mem>>
    %dma_start3A_83 = arith.constant 0 : i32
    %dma_start3A_84 = tpu.memref_slice %arg4[%multiple_of3A_72, %dma_start3A_83] : memref<204800x128xf32, #tpu.memory_space<hbm>> -> memref<128x128xf32, #tpu.memory_space<hbm>>
    %dma_start3A_85 = arith.constant 0 : i32
    %dma_start3A_86 = arith.constant 0 : i32
    %dma_start3A_87 = tpu.memref_slice %arg6[%dma_start3A_73, %dma_start3A_85, %dma_start3A_86] : memref<5x128x128xf32, #tpu.memory_space<vmem>> -> memref<1x128x128xf32, #tpu.memory_space<vmem>>
    %dma_start3A_88 = tpu.memref_squeeze %dma_start3A_87 : memref<1x128x128xf32, #tpu.memory_space<vmem>> -> memref<128x128xf32, #tpu.memory_space<vmem>>
    tpu.enqueue_dma source(%dma_start3A_88 : memref<128x128xf32, #tpu.memory_space<vmem>>) target(%dma_start3A_84 : memref<128x128xf32, #tpu.memory_space<hbm>>) target_semaphore(%dma_start3A_82 : memref<!tpu.dma_semaphore, #tpu.memory_space<semaphore_mem>>)
    %multiple_of3A_89 = arith.constant 512 : i32
    %multiple_of3A_90 = tpu.assume_multiple %multiple_of3A_89, 8 : i32
    %dma_start3A_91 = arith.constant 4 : i32
    %dma_start3A_92 = arith.constant 4 : i32
    %dma_start3A_93 = arith.constant 0 : i32
    %dma_start3A_94 = arith.constant 0 : i32
    %dma_start3A_95 = tpu.memref_slice %arg6[%dma_start3A_91, %dma_start3A_93, %dma_start3A_94] : memref<5x128x128xf32, #tpu.memory_space<vmem>> -> memref<1x128x128xf32, #tpu.memory_space<vmem>>
    %dma_start3A_96 = tpu.memref_squeeze %dma_start3A_95 : memref<1x128x128xf32, #tpu.memory_space<vmem>> -> memref<128x128xf32, #tpu.memory_space<vmem>>
    %dma_start3A_97 = tpu.memref_slice %arg5[%multiple_of3A_90] : memref<6400xi32, #tpu.memory_space<vmem>> -> memref<128xi32, #tpu.memory_space<vmem>>
    %dma_start3A_98 = arith.constant 0 : i32
    %dma_start3A_99 = arith.constant 0 : i32
    %dma_start3A_100 = tpu.memref_slice %arg2[%dma_start3A_98, %dma_start3A_99] : memref<100000x128xf32, #tpu.memory_space<hbm>> -> memref<100000x128xf32, #tpu.memory_space<hbm>>
    %dma_start3A_101 = tpu.memref_slice %arg7[%dma_start3A_92] : memref<5x!tpu.dma_semaphore, #tpu.memory_space<semaphore_mem>> -> memref<1x!tpu.dma_semaphore, #tpu.memory_space<semaphore_mem>>
    %dma_start3A_102 = tpu.memref_squeeze %dma_start3A_101 : memref<1x!tpu.dma_semaphore, #tpu.memory_space<semaphore_mem>> -> memref<!tpu.dma_semaphore, #tpu.memory_space<semaphore_mem>>
    tpu.enqueue_indirect_dma source(%dma_start3A_100 : memref<100000x128xf32, #tpu.memory_space<hbm>>) target(%dma_start3A_96 : memref<128x128xf32, #tpu.memory_space<vmem>>) offsets(%dma_start3A_97 : memref<128xi32, #tpu.memory_space<vmem>>) semaphore(%dma_start3A_102 : memref<!tpu.dma_semaphore, #tpu.memory_space<semaphore_mem>>)
    %scan3A = arith.constant 0 : i32
    %scan3A_103 = arith.constant 1 : i32
    %scan3A_104 = arith.constant 45 : i32
    %scan3A_105 = arith.addi %scan3A_103, %scan3A_104 : i32
    %scan3A_106 = arith.constant 1 : i32
    scf.for %scan3A_120 = %scan3A_103 to %scan3A_105 step %scan3A_106  : i32 {
      %rem3A = arith.constant 5 : i32
      %rem3A_121 = arith.remsi %scan3A_120, %rem3A : i32
      %dma_wait3A_122 = arith.constant 0 : i32
      %dma_wait3A_123 = arith.constant 0 : i32
      %dma_wait3A_124 = tpu.memref_slice %arg6[%rem3A_121, %dma_wait3A_122, %dma_wait3A_123] : memref<5x128x128xf32, #tpu.memory_space<vmem>> -> memref<1x128x128xf32, #tpu.memory_space<vmem>>
      %dma_wait3A_125 = tpu.memref_squeeze %dma_wait3A_124 : memref<1x128x128xf32, #tpu.memory_space<vmem>> -> memref<128x128xf32, #tpu.memory_space<vmem>>
      %dma_wait3A_126 = arith.constant 0 : i32
      %dma_wait3A_127 = tpu.memref_slice %arg5[%dma_wait3A_126] : memref<6400xi32, #tpu.memory_space<vmem>> -> memref<128xi32, #tpu.memory_space<vmem>>
      %dma_wait3A_128 = arith.constant 0 : i32
      %dma_wait3A_129 = arith.constant 0 : i32
      %dma_wait3A_130 = tpu.memref_slice %arg2[%dma_wait3A_128, %dma_wait3A_129] : memref<100000x128xf32, #tpu.memory_space<hbm>> -> memref<100000x128xf32, #tpu.memory_space<hbm>>
      %dma_wait3A_131 = tpu.memref_slice %arg7[%rem3A_121] : memref<5x!tpu.dma_semaphore, #tpu.memory_space<semaphore_mem>> -> memref<1x!tpu.dma_semaphore, #tpu.memory_space<semaphore_mem>>
      %dma_wait3A_132 = tpu.memref_squeeze %dma_wait3A_131 : memref<1x!tpu.dma_semaphore, #tpu.memory_space<semaphore_mem>> -> memref<!tpu.dma_semaphore, #tpu.memory_space<semaphore_mem>>
      tpu.wait_indirect_dma semaphore(%dma_wait3A_132 : memref<!tpu.dma_semaphore, #tpu.memory_space<semaphore_mem>>) src(%dma_wait3A_130 : memref<100000x128xf32, #tpu.memory_space<hbm>>) dst(%dma_wait3A_125 : memref<128x128xf32, #tpu.memory_space<vmem>>)
      %mul3A_133 = arith.constant 128 : i32
      %mul3A_134 = arith.muli %scan3A_120, %mul3A_133 : i32
      %add3A_135 = arith.addi %multiple_of3A, %mul3A_134 : i32
      %multiple_of3A_136 = tpu.assume_multiple %add3A_135, 8 : i32
      %dma_start3A_137 = arith.constant 0 : i32
      %dma_start3A_138 = arith.constant 0 : i32
      %dma_start3A_139 = tpu.memref_slice %arg6[%rem3A_121, %dma_start3A_137, %dma_start3A_138] : memref<5x128x128xf32, #tpu.memory_space<vmem>> -> memref<1x128x128xf32, #tpu.memory_space<vmem>>
      %dma_start3A_140 = tpu.memref_squeeze %dma_start3A_139 : memref<1x128x128xf32, #tpu.memory_space<vmem>> -> memref<128x128xf32, #tpu.memory_space<vmem>>
      %dma_start3A_141 = arith.constant 0 : i32
      %dma_start3A_142 = tpu.memref_slice %arg4[%multiple_of3A_136, %dma_start3A_141] : memref<204800x128xf32, #tpu.memory_space<hbm>> -> memref<128x128xf32, #tpu.memory_space<hbm>>
      %dma_start3A_143 = tpu.memref_slice %arg8[%rem3A_121] : memref<5x!tpu.dma_semaphore, #tpu.memory_space<semaphore_mem>> -> memref<1x!tpu.dma_semaphore, #tpu.memory_space<semaphore_mem>>
      %dma_start3A_144 = tpu.memref_squeeze %dma_start3A_143 : memref<1x!tpu.dma_semaphore, #tpu.memory_space<semaphore_mem>> -> memref<!tpu.dma_semaphore, #tpu.memory_space<semaphore_mem>>
      %dma_start3A_145 = arith.constant 0 : i32
      %dma_start3A_146 = tpu.memref_slice %arg4[%multiple_of3A_136, %dma_start3A_145] : memref<204800x128xf32, #tpu.memory_space<hbm>> -> memref<128x128xf32, #tpu.memory_space<hbm>>
      %dma_start3A_147 = arith.constant 0 : i32
      %dma_start3A_148 = arith.constant 0 : i32
      %dma_start3A_149 = tpu.memref_slice %arg6[%rem3A_121, %dma_start3A_147, %dma_start3A_148] : memref<5x128x128xf32, #tpu.memory_space<vmem>> -> memref<1x128x128xf32, #tpu.memory_space<vmem>>
      %dma_start3A_150 = tpu.memref_squeeze %dma_start3A_149 : memref<1x128x128xf32, #tpu.memory_space<vmem>> -> memref<128x128xf32, #tpu.memory_space<vmem>>
      tpu.enqueue_dma source(%dma_start3A_150 : memref<128x128xf32, #tpu.memory_space<vmem>>) target(%dma_start3A_146 : memref<128x128xf32, #tpu.memory_space<hbm>>) target_semaphore(%dma_start3A_144 : memref<!tpu.dma_semaphore, #tpu.memory_space<semaphore_mem>>)
      %add3A_151 = arith.constant 4 : i32
      %add3A_152 = arith.addi %scan3A_120, %add3A_151 : i32
      %rem3A_153 = arith.constant 5 : i32
      %rem3A_154 = arith.remsi %add3A_152, %rem3A_153 : i32
      %dma_wait3A_155 = arith.constant 0 : i32
      %dma_wait3A_156 = arith.constant 0 : i32
      %dma_wait3A_157 = tpu.memref_slice %arg6[%rem3A_154, %dma_wait3A_155, %dma_wait3A_156] : memref<5x128x128xf32, #tpu.memory_space<vmem>> -> memref<1x128x128xf32, #tpu.memory_space<vmem>>
      %dma_wait3A_158 = tpu.memref_squeeze %dma_wait3A_157 : memref<1x128x128xf32, #tpu.memory_space<vmem>> -> memref<128x128xf32, #tpu.memory_space<vmem>>
      %dma_wait3A_159 = arith.constant 0 : i32
      %dma_wait3A_160 = tpu.memref_slice %arg4[%multiple_of3A, %dma_wait3A_159] : memref<204800x128xf32, #tpu.memory_space<hbm>> -> memref<128x128xf32, #tpu.memory_space<hbm>>
      %dma_wait3A_161 = tpu.memref_slice %arg8[%rem3A_154] : memref<5x!tpu.dma_semaphore, #tpu.memory_space<semaphore_mem>> -> memref<1x!tpu.dma_semaphore, #tpu.memory_space<semaphore_mem>>
      %dma_wait3A_162 = tpu.memref_squeeze %dma_wait3A_161 : memref<1x!tpu.dma_semaphore, #tpu.memory_space<semaphore_mem>> -> memref<!tpu.dma_semaphore, #tpu.memory_space<semaphore_mem>>
      %dma_wait3A_163 = arith.constant 0 : i32
      %dma_wait3A_164 = tpu.memref_slice %arg4[%multiple_of3A, %dma_wait3A_163] : memref<204800x128xf32, #tpu.memory_space<hbm>> -> memref<128x128xf32, #tpu.memory_space<hbm>>
      %dma_wait3A_165 = arith.constant 0 : i32
      %dma_wait3A_166 = arith.constant 0 : i32
      %dma_wait3A_167 = tpu.memref_slice %arg6[%rem3A_154, %dma_wait3A_165, %dma_wait3A_166] : memref<5x128x128xf32, #tpu.memory_space<vmem>> -> memref<1x128x128xf32, #tpu.memory_space<vmem>>
      %dma_wait3A_168 = tpu.memref_squeeze %dma_wait3A_167 : memref<1x128x128xf32, #tpu.memory_space<vmem>> -> memref<128x128xf32, #tpu.memory_space<vmem>>
      tpu.wait_dma2 semaphore(%dma_wait3A_162 : memref<!tpu.dma_semaphore, #tpu.memory_space<semaphore_mem>>) src(%dma_wait3A_168 : memref<128x128xf32, #tpu.memory_space<vmem>>) dst(%dma_wait3A_164 : memref<128x128xf32, #tpu.memory_space<hbm>>)
      %add3A_169 = arith.constant 4 : i32
      %add3A_170 = arith.addi %scan3A_120, %add3A_169 : i32
      %mul3A_171 = arith.constant 128 : i32
      %mul3A_172 = arith.muli %add3A_170, %mul3A_171 : i32
      %multiple_of3A_173 = tpu.assume_multiple %mul3A_172, 8 : i32
      %dma_start3A_174 = arith.constant 0 : i32
      %dma_start3A_175 = arith.constant 0 : i32
      %dma_start3A_176 = tpu.memref_slice %arg6[%rem3A_154, %dma_start3A_174, %dma_start3A_175] : memref<5x128x128xf32, #tpu.memory_space<vmem>> -> memref<1x128x128xf32, #tpu.memory_space<vmem>>
      %dma_start3A_177 = tpu.memref_squeeze %dma_start3A_176 : memref<1x128x128xf32, #tpu.memory_space<vmem>> -> memref<128x128xf32, #tpu.memory_space<vmem>>
      %dma_start3A_178 = tpu.memref_slice %arg5[%multiple_of3A_173] : memref<6400xi32, #tpu.memory_space<vmem>> -> memref<128xi32, #tpu.memory_space<vmem>>
      %dma_start3A_179 = arith.constant 0 : i32
      %dma_start3A_180 = arith.constant 0 : i32
      %dma_start3A_181 = tpu.memref_slice %arg2[%dma_start3A_179, %dma_start3A_180] : memref<100000x128xf32, #tpu.memory_space<hbm>> -> memref<100000x128xf32, #tpu.memory_space<hbm>>
      %dma_start3A_182 = tpu.memref_slice %arg7[%rem3A_154] : memref<5x!tpu.dma_semaphore, #tpu.memory_space<semaphore_mem>> -> memref<1x!tpu.dma_semaphore, #tpu.memory_space<semaphore_mem>>
      %dma_start3A_183 = tpu.memref_squeeze %dma_start3A_182 : memref<1x!tpu.dma_semaphore, #tpu.memory_space<semaphore_mem>> -> memref<!tpu.dma_semaphore, #tpu.memory_space<semaphore_mem>>
      tpu.enqueue_indirect_dma source(%dma_start3A_181 : memref<100000x128xf32, #tpu.memory_space<hbm>>) target(%dma_start3A_177 : memref<128x128xf32, #tpu.memory_space<vmem>>) offsets(%dma_start3A_178 : memref<128xi32, #tpu.memory_space<vmem>>) semaphore(%dma_start3A_183 : memref<!tpu.dma_semaphore, #tpu.memory_space<semaphore_mem>>)
    }
    %scan3A_107 = arith.constant 45 : i32
    %scan3A_108 = arith.constant 0 : i32
    %scan3A_109 = arith.constant 46 : i32
    %scan3A_110 = arith.constant 4 : i32
    %scan3A_111 = arith.addi %scan3A_109, %scan3A_110 : i32
    %scan3A_112 = arith.constant 1 : i32
    scf.for %scan3A_120 = %scan3A_109 to %scan3A_111 step %scan3A_112  : i32 {
      %rem3A = arith.constant 5 : i32
      %rem3A_121 = arith.remsi %scan3A_120, %rem3A : i32
      %dma_wait3A_122 = arith.constant 0 : i32
      %dma_wait3A_123 = arith.constant 0 : i32
      %dma_wait3A_124 = tpu.memref_slice %arg6[%rem3A_121, %dma_wait3A_122, %dma_wait3A_123] : memref<5x128x128xf32, #tpu.memory_space<vmem>> -> memref<1x128x128xf32, #tpu.memory_space<vmem>>
      %dma_wait3A_125 = tpu.memref_squeeze %dma_wait3A_124 : memref<1x128x128xf32, #tpu.memory_space<vmem>> -> memref<128x128xf32, #tpu.memory_space<vmem>>
      %dma_wait3A_126 = arith.constant 0 : i32
      %dma_wait3A_127 = tpu.memref_slice %arg5[%dma_wait3A_126] : memref<6400xi32, #tpu.memory_space<vmem>> -> memref<128xi32, #tpu.memory_space<vmem>>
      %dma_wait3A_128 = arith.constant 0 : i32
      %dma_wait3A_129 = arith.constant 0 : i32
      %dma_wait3A_130 = tpu.memref_slice %arg2[%dma_wait3A_128, %dma_wait3A_129] : memref<100000x128xf32, #tpu.memory_space<hbm>> -> memref<100000x128xf32, #tpu.memory_space<hbm>>
      %dma_wait3A_131 = tpu.memref_slice %arg7[%rem3A_121] : memref<5x!tpu.dma_semaphore, #tpu.memory_space<semaphore_mem>> -> memref<1x!tpu.dma_semaphore, #tpu.memory_space<semaphore_mem>>
      %dma_wait3A_132 = tpu.memref_squeeze %dma_wait3A_131 : memref<1x!tpu.dma_semaphore, #tpu.memory_space<semaphore_mem>> -> memref<!tpu.dma_semaphore, #tpu.memory_space<semaphore_mem>>
      tpu.wait_indirect_dma semaphore(%dma_wait3A_132 : memref<!tpu.dma_semaphore, #tpu.memory_space<semaphore_mem>>) src(%dma_wait3A_130 : memref<100000x128xf32, #tpu.memory_space<hbm>>) dst(%dma_wait3A_125 : memref<128x128xf32, #tpu.memory_space<vmem>>)
      %mul3A_133 = arith.constant 128 : i32
      %mul3A_134 = arith.muli %scan3A_120, %mul3A_133 : i32
      %add3A_135 = arith.addi %multiple_of3A, %mul3A_134 : i32
      %multiple_of3A_136 = tpu.assume_multiple %add3A_135, 8 : i32
      %dma_start3A_137 = arith.constant 0 : i32
      %dma_start3A_138 = arith.constant 0 : i32
      %dma_start3A_139 = tpu.memref_slice %arg6[%rem3A_121, %dma_start3A_137, %dma_start3A_138] : memref<5x128x128xf32, #tpu.memory_space<vmem>> -> memref<1x128x128xf32, #tpu.memory_space<vmem>>
      %dma_start3A_140 = tpu.memref_squeeze %dma_start3A_139 : memref<1x128x128xf32, #tpu.memory_space<vmem>> -> memref<128x128xf32, #tpu.memory_space<vmem>>
      %dma_start3A_141 = arith.constant 0 : i32
      %dma_start3A_142 = tpu.memref_slice %arg4[%multiple_of3A_136, %dma_start3A_141] : memref<204800x128xf32, #tpu.memory_space<hbm>> -> memref<128x128xf32, #tpu.memory_space<hbm>>
      %dma_start3A_143 = tpu.memref_slice %arg8[%rem3A_121] : memref<5x!tpu.dma_semaphore, #tpu.memory_space<semaphore_mem>> -> memref<1x!tpu.dma_semaphore, #tpu.memory_space<semaphore_mem>>
      %dma_start3A_144 = tpu.memref_squeeze %dma_start3A_143 : memref<1x!tpu.dma_semaphore, #tpu.memory_space<semaphore_mem>> -> memref<!tpu.dma_semaphore, #tpu.memory_space<semaphore_mem>>
      %dma_start3A_145 = arith.constant 0 : i32
      %dma_start3A_146 = tpu.memref_slice %arg4[%multiple_of3A_136, %dma_start3A_145] : memref<204800x128xf32, #tpu.memory_space<hbm>> -> memref<128x128xf32, #tpu.memory_space<hbm>>
      %dma_start3A_147 = arith.constant 0 : i32
      %dma_start3A_148 = arith.constant 0 : i32
      %dma_start3A_149 = tpu.memref_slice %arg6[%rem3A_121, %dma_start3A_147, %dma_start3A_148] : memref<5x128x128xf32, #tpu.memory_space<vmem>> -> memref<1x128x128xf32, #tpu.memory_space<vmem>>
      %dma_start3A_150 = tpu.memref_squeeze %dma_start3A_149 : memref<1x128x128xf32, #tpu.memory_space<vmem>> -> memref<128x128xf32, #tpu.memory_space<vmem>>
      tpu.enqueue_dma source(%dma_start3A_150 : memref<128x128xf32, #tpu.memory_space<vmem>>) target(%dma_start3A_146 : memref<128x128xf32, #tpu.memory_space<hbm>>) target_semaphore(%dma_start3A_144 : memref<!tpu.dma_semaphore, #tpu.memory_space<semaphore_mem>>)
    }
    %scan3A_113 = arith.constant 4 : i32
    %scan3A_114 = arith.constant 0 : i32
    %scan3A_115 = arith.constant 45 : i32
    %scan3A_116 = arith.constant 5 : i32
    %scan3A_117 = arith.addi %scan3A_115, %scan3A_116 : i32
    %scan3A_118 = arith.constant 1 : i32
    scf.for %scan3A_120 = %scan3A_115 to %scan3A_117 step %scan3A_118  : i32 {
      %rem3A = arith.constant 5 : i32
      %rem3A_121 = arith.remsi %scan3A_120, %rem3A : i32
      %dma_wait3A_122 = arith.constant 0 : i32
      %dma_wait3A_123 = arith.constant 0 : i32
      %dma_wait3A_124 = tpu.memref_slice %arg6[%rem3A_121, %dma_wait3A_122, %dma_wait3A_123] : memref<5x128x128xf32, #tpu.memory_space<vmem>> -> memref<1x128x128xf32, #tpu.memory_space<vmem>>
      %dma_wait3A_125 = tpu.memref_squeeze %dma_wait3A_124 : memref<1x128x128xf32, #tpu.memory_space<vmem>> -> memref<128x128xf32, #tpu.memory_space<vmem>>
      %dma_wait3A_126 = arith.constant 0 : i32
      %dma_wait3A_127 = tpu.memref_slice %arg4[%multiple_of3A, %dma_wait3A_126] : memref<204800x128xf32, #tpu.memory_space<hbm>> -> memref<128x128xf32, #tpu.memory_space<hbm>>
      %dma_wait3A_128 = tpu.memref_slice %arg8[%rem3A_121] : memref<5x!tpu.dma_semaphore, #tpu.memory_space<semaphore_mem>> -> memref<1x!tpu.dma_semaphore, #tpu.memory_space<semaphore_mem>>
      %dma_wait3A_129 = tpu.memref_squeeze %dma_wait3A_128 : memref<1x!tpu.dma_semaphore, #tpu.memory_space<semaphore_mem>> -> memref<!tpu.dma_semaphore, #tpu.memory_space<semaphore_mem>>
      %dma_wait3A_130 = arith.constant 0 : i32
      %dma_wait3A_131 = tpu.memref_slice %arg4[%multiple_of3A, %dma_wait3A_130] : memref<204800x128xf32, #tpu.memory_space<hbm>> -> memref<128x128xf32, #tpu.memory_space<hbm>>
      %dma_wait3A_132 = arith.constant 0 : i32
      %dma_wait3A_133 = arith.constant 0 : i32
      %dma_wait3A_134 = tpu.memref_slice %arg6[%rem3A_121, %dma_wait3A_132, %dma_wait3A_133] : memref<5x128x128xf32, #tpu.memory_space<vmem>> -> memref<1x128x128xf32, #tpu.memory_space<vmem>>
      %dma_wait3A_135 = tpu.memref_squeeze %dma_wait3A_134 : memref<1x128x128xf32, #tpu.memory_space<vmem>> -> memref<128x128xf32, #tpu.memory_space<vmem>>
      tpu.wait_dma2 semaphore(%dma_wait3A_129 : memref<!tpu.dma_semaphore, #tpu.memory_space<semaphore_mem>>) src(%dma_wait3A_135 : memref<128x128xf32, #tpu.memory_space<vmem>>) dst(%dma_wait3A_131 : memref<128x128xf32, #tpu.memory_space<hbm>>)
    }
    %scan3A_119 = arith.constant 5 : i32
    return
  }
}

</mosaic_0001>

<sc_bundles>
// kernel: _gather_rows.3.cloned.1.call-start
scs
__scs_entry_jumppad:
0x0: {  	(pc) =	sbr.rel $0x88, $3  }
0x1: {  	(tag) =	ssettag $0x0;
	lr =	simm.s32 $0x1  }
0x2: {  	[smem:$0x3F9F] =	sst lr;
	_ =	strace $0xD0000000  }
0x3: {  	_ = 	snop  }
0x4: {  	_ = 	snop  }
0x5: {  	_ = 	snop  }
0x6: {  	_ = 	snop  }
0x7: {  	_ = 	snop  }
__scs_overlays_trampoline_lowered:
0x8: {  	[smem:$0x3FAE] =	sst s0  }
0x9: {  	[smem:$0x3FAF] =	sst s1  }
0xa: {  	[smem:$0x3FB0] =	sst s2  }
0xb: {  	[smem:$0x3FB1] =	sst s3  }
0xc: {  	[smem:$0x3FB2] =	sst s4  }
0xd: {  	[smem:$0x3FB3] =	sst s5  }
0xe: {  	[smem:$0x3FB4] =	sst s6  }
0xf: {  	[smem:$0x3FB5] =	sst s7  }
0x10: {  	[smem:$0x3FB6] =	sst s8  }
0x11: {  	[smem:$0x3FB7] =	sst s9;
	s0 =	simm.s32 @!p0 $0x0  }
0x12: {  	s1 =	sld [smem:$0x3F9D];
	s0 =	simm.s32 @p0 $0x1  }
0x13: {  	[smem:$0x3FB8] =	sst s0;
	s0 =	simm.s32 @!p1 $0x0  }
0x14: {  	s2 =	sld [smem:$0x3F9C];
	s0 =	simm.s32 @p1 $0x1  }
0x15: {  	[smem:$0x3FB9] =	sst s0;
	s0 =	simm.s32 @!p2 $0x0  }
0x16: {  	s3 =	sld [smem:$0x3FDB];
	s0 =	simm.s32 @p2 $0x1  }
0x17: {  	s4 =	simm.s32 $0x1BF5;
	[smem:$0x3FBB] =	sst s0  }
0x18: {  	s0 =	sld [smem:$0x3F9E];
	_ =	swait.ge [sflag:s4], $0x0  }
0x19: {  	s7 =	sld [smem:$0x3F9F]  }
0x1a: {  	s8 =	sadd.s32 $0xFFFFE003, lr  }
0x1b: {  	s9 =	sadd.s32 $0xFFFFFEF7, lr;
	s5 =	simm.s32 $0xFFFFFFFF;
	p2 =	slt.u32 s8, $0xFFFFF086  }
0x1c: {  	p1 =	slt.u32 s9, $0xF7A;
	s5 =	simm.s32 @!p2 $0x0  }
0x1d: {  	s5 =	simm.s32 @p1 $0x1;
	p0 =	seq.s32 s7, s2  }
0x1e: {  	s7 =	smul.u32 @!p0 $0xF7A, s2;
	p2 =	seq.s32 @!p0 s5, $0x0  }
0x1f: {  	s9 =	smul.u32 $0xF7A, s1;
	s8 =	simm.s32 @!p0 $0x1BF5;
	p2 =	por !p2, p0  }
0x20: {  	[sflag:s8] =	ssyncset.s32 @!p0 $0xFFFFF086;
	s6 =	sadd.s32 @!p0 s3, s7;
	s7 =	simm.s32 @!p0 $0x108  }
0x21: {  	s3 =	sadd.s32 s3, s9;
	s6 =	sadd.s32 @!p0 $0x88, s6;
	s7 =	simm.s32 @p2 $0x1082  }
0x22: {  	[simem:s7], [sflag:s8] =	dma.local @!p0 [hbm:s6], $0xF7A  }
0x23: {  	s9 =	sor.u32 $0xD0000000, s2;
	s6 =	simm.s32 $0x108;
	_ =	swait.ge @!p0 [sflag:s8], $0x0  }
0x24: {  	s3 =	sadd.s32 $0x88, s3;
	s6 =	simm.s32 @!p1 $0x1082;
	[sflag:s4] =	ssyncset.s32 $0xFFFFF086  }
0x25: {  	[simem:s6], [sflag:s4] =	dma.local [hbm:s3], $0xF7A  }
0x26: {  	[smem:$0x3F9F] =	sst s1;
	(tag) =	ssettag s2;
	_ =	strace s9  }
0x27: {  	s1 =	sld [smem:$0x3FAF]  }
0x28: {  	s2 =	sld [smem:$0x3FB0]  }
0x29: {  	s4 =	sld [smem:$0x3FB2]  }
0x2a: {  	p0 =	seq.s32 s5, $0x0;
	s5 =	sld [smem:$0x3FB3]  }
0x2b: {  	s6 =	sld [smem:$0x3FB4]  }
0x2c: {  	s7 =	sld [smem:$0x3FB5]  }
0x2d: {  	s3 =	simm.s32 $0x108;
	s8 =	sld [smem:$0x3FB6]  }
0x2e: {  	s3 =	simm.s32 @!p0 $0x1082;
	s9 =	sld [smem:$0x3FB7]  }
0x2f: {  	lr =	sadd.s32 s0, s3;
	s0 =	sld [smem:$0x3FAE]  }
0x30: {  	s3 =	sld [smem:$0x3FB1]  }
0x31: {  	[smem:$0x3FBA] =	sst s10  }
0x32: {  	s10 =	sld [smem:$0x3FB8];
	_ =	sdelay $0x3  }
0x33: {  	p0 =	seq.s32 s10, $0x1;
	s10 =	sld [smem:$0x3FBA];
	_ =	sdelay $0x3  }
0x34: {  	[smem:$0x3FBA] =	sst s10  }
0x35: {  	s10 =	sld [smem:$0x3FB9];
	_ =	sdelay $0x3  }
0x36: {  	p1 =	seq.s32 s10, $0x1;
	s10 =	sld [smem:$0x3FBA];
	_ =	sdelay $0x3  }
0x37: {  	[smem:$0x3FBA] =	sst s10  }
0x38: {  	s10 =	sld [smem:$0x3FBB]  }
0x39: {  	_ = 	snop;
	(pc) =	sbr.ind lr, $3  }
0x3a: {  	_ = 	snop  }
0x3b: {  	_ = 	snop  }
0x3c: {  	p2 =	seq.s32 s10, $0x1;
	s10 =	sld [smem:$0x3FBA]  }
0x3d: {  	_ =	shalt  }
0x3e: {  	_ =	shalt  }
0x3f: {  	_ =	shalt  }
0x40: {  	_ =	shalt  }
0x41: {  	_ =	shalt  }
0x42: {  	_ =	shalt  }
0x43: {  	_ =	shalt  }
0x44: {  	_ =	shalt  }
0x45: {  	_ =	shalt  }
0x46: {  	_ =	shalt  }
0x47: {  	_ =	shalt  }
0x48: {  	_ =	shalt  }
0x49: {  	_ =	shalt  }
0x4a: {  	_ =	shalt  }
0x4b: {  	_ =	shalt  }
0x4c: {  	_ =	shalt  }
0x4d: {  	_ =	shalt  }
0x4e: {  	_ =	shalt  }
0x4f: {  	_ =	shalt  }
0x50: {  	_ =	shalt  }
0x51: {  	_ =	shalt  }
0x52: {  	_ =	shalt  }
0x53: {  	_ =	shalt  }
0x54: {  	_ =	shalt  }
0x55: {  	_ =	shalt  }
0x56: {  	_ =	shalt  }
0x57: {  	_ =	shalt  }
0x58: {  	_ =	shalt  }
0x59: {  	_ =	shalt  }
0x5a: {  	_ =	shalt  }
0x5b: {  	_ =	shalt  }
0x5c: {  	_ =	shalt  }
0x5d: {  	_ =	shalt  }
0x5e: {  	_ =	shalt  }
0x5f: {  	_ =	shalt  }
0x60: {  	_ =	shalt  }
0x61: {  	_ =	shalt  }
0x62: {  	_ =	shalt  }
0x63: {  	_ =	shalt  }
0x64: {  	_ =	shalt  }
0x65: {  	_ =	shalt  }
0x66: {  	_ =	shalt  }
0x67: {  	_ =	shalt  }
0x68: {  	_ =	shalt  }
0x69: {  	_ =	shalt  }
0x6a: {  	_ =	shalt  }
0x6b: {  	_ =	shalt  }
0x6c: {  	_ =	shalt  }
0x6d: {  	_ =	shalt  }
0x6e: {  	_ =	shalt  }
0x6f: {  	_ =	shalt  }
0x70: {  	_ =	shalt  }
0x71: {  	_ =	shalt  }
0x72: {  	_ =	shalt  }
0x73: {  	_ =	shalt  }
0x74: {  	_ =	shalt  }
0x75: {  	_ =	shalt  }
0x76: {  	_ =	shalt  }
0x77: {  	_ =	shalt  }
0x78: {  	_ =	shalt  }
0x79: {  	_ =	shalt  }
0x7a: {  	_ =	shalt  }
0x7b: {  	_ =	shalt  }
0x7c: {  	_ =	shalt  }
0x7d: {  	_ =	shalt  }
0x7e: {  	_ =	shalt  }
0x7f: {  	_ =	shalt  }
0x80: {  	_ =	shalt  }
0x81: {  	_ =	shalt  }
0x82: {  	_ =	shalt  }
0x83: {  	_ =	shalt  }
0x84: {  	_ =	shalt  }
0x85: {  	_ =	shalt  }
0x86: {  	_ =	shalt  }
0x87: {  	_ =	shalt  }
.Lfunc_end0:
.L_simem_size_0:
called_computation_lowered:
.L_overlay_start_0:
0x88: {  	s2 =	sld [smem:$0x3FD9]  }
0x89: {  	s3 =	sld [smem:$0x3FFE];
	_ =	sdelay $0x1  }
0x8a: {  	s1 =	srdreg.scid  }
0x8b: {  	s0 =	sand.u32 $0x1, s1  }
0x8c: {  	s18 =	sshll.u32 s0, $0xA;
	s2 =	sadd.s32 s3, s2  }
0x8d: {  	s2 =	sadd.s32 s2, s18  }
0x8e: {  	[smem:$0x3FC6] =	sst s2  }
0x8f: {  	_ = 	snop  }
0x90: {  	s2 =	sld [smem:$0x3FC9]  }
0x91: {  	s19 =	sld [smem:$0x3FC8]  }
0x92: {  	s4 =	sld [smem:$0x3FD0];
	(tm) =	ssettm $0x1  }
0x93: {  	s5 =	sld [smem:$0x3FFB];
	_ =	sdelay $0x3  }
0x94: {  	_ =	strace s5  }
0x95: {  	s5 =	sld [smem:$0x3FFC];
	_ =	sdelay $0x3  }
0x96: {  	_ =	strace s5  }
0x97: {  	s5 =	sld [smem:$0x3FFD];
	_ =	sdelay $0x3  }
0x98: {  	_ =	strace s5  }
0x99: {  	_ =	strace $0x8FFFFFFF  }
0x9a: {  	s20 =	sld [smem:$0x3FDB];
	_ =	sdelay $0x1  }
0x9b: {  	s6 =	simm.s32 $_scs_section_size  }
0x9c: {  	s7 =	simm.s32 $_size__tile_overlayer_lowered;
	s8 =	simm.s32 $_tile_overlayer_lowered  }
0x9d: {  	s23 =	simm.s32 $0x1BFF;
	s22 =	sshll.u32 s8, $0x1;
	s5 =	sadd.s32 s6, s20  }
0x9e: {  	s9 =	simm.s32 $0x0;
	s21 =	sshll.u32 s7, $0x1;
	s7 =	sadd.s32 s22, s5  }
0x9f: {  	[timem:s9], [sflag:s23] =	dma.local [hbm:s7], s21  }
0xa0: {  	_ =	swait.ge [sflag:s23], s21  }
0xa1: {  	s6 =	ssub.s32 $0x0, s21;
	[sflag:s23] =	ssyncset.done $0x0  }
0xa2: {  	[sflag:s23] =	ssyncadd.s32 s6;
	_ =	sdelay $0x1  }
0xa3: {  	s24 =	simm.s32 $0x1B8B  }
0xa4: {  	_ =	swait.ge [sflag:s24], $0x1  }
0xa5: {  	[sflag:s24] =	ssyncset.done $0x0  }
0xa6: {  	s25 =	simm.s32 $0x1B8E;
	[sflag:s24] =	ssyncadd.s32 $0xFFFFFFFF  }
0xa7: {  	s26 =	simm.s32 $execute0_lowered;
	[smem:$0x3FD2] =	sst s25  }
0xa8: {  	s6 =	sshll.u32 s26, $0x1;
	_ =	strace $0x80000046;
	[dreg:$0x1] =	wrdreg $0xFFFFFFFF  }
0xa9: {  	s28 =	simm.s32 $_size_execute0_lowered;
	s5 =	sadd.s32 s5, s6;
	[dreg:$0x0] =	wrdreg $0x0  }
0xaa: {  	s6 =	sshll.u32 s28, $0x1;
	[dreg:$0x2] =	wrdreg s5  }
0xab: {  	[dreg:$0x3] =	wrdreg s6  }
0xac: {  	[dreg:$0x4] =	wrdreg $0xC0  }
0xad: {  	_ =	task [dreg:s9], $0x5FFFF  }
0xae: {  	[dreg:$0x1] =	wrdreg $0xFFFFFFFF  }
0xaf: {  	[dreg:$0x0] =	wrdreg $0x60  }
0xb0: {  	[dreg:$0x2] =	wrdreg s2  }
0xb1: {  	[dreg:$0x3] =	wrdreg s19  }
0xb2: {  	[dreg:$0x4] =	wrdreg s4  }
0xb3: {  	[dreg:$0x5] =	wrdreg $0x9  }
0xb4: {  	_ =	task.clear_ibuf [dreg:s9], $0x6FFFF;
	_ =	strace $0x90000046  }
0xb5: {  	s29 =	simm.s32 $0x9;
	_ =	strace $0x80000048  }
0xb6: {  	_ =	swait.ge [sflag:s29], $0x1  }
0xb7: {  	[sflag:s29] =	ssyncadd.s32 $0xFFFFFFFF  }
0xb8: {  	_ =	strace $0x90000048  }
0xb9: {  	_ =	sfence  }
0xba: {  	s30 =	sld [smem:$0x0];
	_ =	sdelay $0x2  }
0xbb: {  	s31 =	sshll.u32 s1, $0xD;
	s1 =	sshrl.u32 s1, $0x2  }
0xbc: {  	s3 =	sand.u32 $0x4000, s31;
	s1 =	sadd.s32 s1, s30  }
0xbd: {  	s0 =	sor.u32 s3, s0;
	s1 =	sshll.u32 s1, $0x11  }
0xbe: {  	s0 =	sor.u32 s1, s0  }
0xbf: {  	s0 =	sadd.s32 $0x8F2B, s0  }
0xc0: {  	[sflag:s0] =	ssyncadd.remote.s32 $0x1  }
0xc1: {  	_ =	sfence.sel $0xFFFF  }
0xc2: {  	[dreg:$0x0] =	wrdreg $0xFFFFFFFF;
	(pc) =	sbr.abs _section_cstart, $3  }
0xc3: {  	[dreg:$0x1] =	wrdreg $0xFFFFFFFF  }
0xc4: {  	_ =	task.clear_ibuf [dreg:s9], $0x2FFFF;
	_ =	strace $0x9FFFFFFF  }
0xc5: {  	(tm) =	ssettm $0x7FFFFFFF  }
tec
execute0_lowered:
.L_overlay_start_1:
0x0: {  	(tag) =	ssettag $0x1  }
0x1: {  	s2 =	rddreg [dreg:$0x0]  }
0x2: {  	s0 =	srdreg.scid;
	s4 =	rddreg [dreg:$0x1]  }
0x3: {  	s9 =	stileid.u32;
	s6 =	rddreg [dreg:$0x2]  }
0x4: {  	s3 =	simm.s32 $0x0;
	s12 =	simm.s32 $0xB;
	s13 =	simm.s32 $0x80  }
0x5: {  	s19 =	simm.s32 $0xD900;
	s20 =	simm.s32 $0x1;
	s28 =	simm.s32 $0x6  }
0x6: {  	s0 =	sand.u32 $0x1, s0;
	s1 =	sshll.u32 s9, $0x1;
	s9 =	smul.u32 $0x190000, s9  }
0x7: {  	s1 =	sor.u32 s0, s1;
	s8 =	ssub.s32 $0x2, s0;
	s0 =	smul.u32 $0xC8000, s0  }
0x8: {  	s29 =	simm.s32 $0x7;
	s30 =	simm.s32 $0x8;
	s5 =	smul.u32 $0x320, s1  }
0x9: {  	s31 =	simm.s32 $0x9;
	[smem:$0x7FF] =	sst s3;
	s7 =	smul.u32 $0x19000, s1  }
0xa: {  	_ =	strace $0x80000047;
	s1 =	smul.u32 $0xC8000, s1;
	s10 =	sshrl.u32 s8, $0x1  }
0xb: {  	s8 =	ssub.s32 s8, s10;
	s0 =	sadd.s32 s0, s9;
	s4 =	sadd.s32 s4, s5  }
0xc: {  	s22 =	sadd.s32 s6, s7;
	s1 =	sshrl.u32 s1, $0x3;
	s23 =	smax.u32 s8, $0x1  }
0xd: {  	s0 =	sor.u32 $0x4000, s0;
	s7 =	simm.s32 $0x5900;
	[dreg:$0x4] =	wrdreg s4  }
0xe: {  	s8 =	simm.s32 $0x9900;
	[dreg:$0x5] =	wrdreg s22;
	s1 =	sadd.s32 s6, s1  }
0xf: {  	[dreg:$0x6] =	wrdreg s23;
	s0 =	sshrl.u32 s0, $0x3;
	s24 =	sadd.s32 $0x17000, s1  }
0x10: {  	s22 =	simm.s32 $0x11900;
	s25 =	sadd.s32 $0x17800, s1;
	[dreg:$0x7] =	wrdreg s24  }
0x11: {  	s23 =	simm.s32 $0x2;
	s26 =	sadd.s32 $0x18000, s1;
	[dreg:$0x8] =	wrdreg s25  }
0x12: {  	s1 =	sadd.s32 $0x18800, s1;
	s5 =	sadd.s32 s0, s6;
	[dreg:$0x9] =	wrdreg s26  }
0x13: {  	s0 =	simm.s32 $0x0;
	[dreg:$0xa] =	wrdreg s1;
	s24 =	simm.s32 $0x3  }
0x14: {  	s25 =	simm.s32 $0x4;
	s26 =	simm.s32 $0x5;
	s1 =	simm.s32 $0xA  }
.LBB2_1:
0x15: {  	s4 =	rddreg [dreg:$0x4]  }
0x16: {  	[tilespmem:s3], [sflag:$0xB] =	stream.linear.gather [hbm4b:s4+s3], $0x1900, $0x38;
	[tilespmem:$0x15900] =	vst v63  }
0x17: {  	_ =	swait.ge [sflag:s12], $0x1900  }
0x18: {  	[sflag:s12] =	ssyncset.done $0x0  }
0x19: {  	s6 =	simm.s32 $0x1900;
	[sflag:s12] =	ssyncadd.s32 $0xFFFFE700  }
0x1a: {  	[tilespmem:s6], [sflag:$0x1] =	stream.indirect.gather [hbm4b:s2+s13], $0x80, s3, s13, $0xb8;
	[tilespmem:$0x15900] =	vst v63  }
0x1b: {  	_ = 	snop  }
0x1c: {  	[tilespmem:s7], [sflag:$0x2] =	stream.indirect.gather [hbm4b:s2+s13], $0x80, s13, s13, $0xb8;
	[tilespmem:$0x15900] =	vst v63  }
0x1d: {  	s21 =	simm.s32 $0x100  }
0x1e: {  	[tilespmem:s8], [sflag:$0x3] =	stream.indirect.gather [hbm4b:s2+s13], $0x80, s21, s13, $0xb8;
	[tilespmem:$0x15900] =	vst v63  }
0x1f: {  	s9 =	smul.u32 $0xCD, s26;
	s7 =	simm.s32 $0x180  }
0x20: {  	[tilespmem:s19], [sflag:$0x4] =	stream.indirect.gather [hbm4b:s2+s13], $0x80, s7, s13, $0xb8;
	[tilespmem:$0x15900] =	vst v63  }
0x21: {  	_ =	swait.ge [sflag:s20], $0x4000  }
0x22: {  	s11 =	sadd.s32 $0xFFFFFCCC, s9;
	[sflag:s20] =	ssyncset.done $0x0  }
0x23: {  	s4 =	sshrl.u32 s9, $0xA;
	s8 =	rddreg [dreg:$0x5];
	[sflag:s20] =	ssyncadd.s32 $0xFFFFC000  }
0x24: {  	[hbm4b:s8+s3] =	stream.linear.scatter [tilespmem:s6], [sflag:$0x6], $0x4000, $0x38;
	[tilespmem:$0x15900] =	vst v63  }
0x25: {  	s4 =	sand.u32 $0x3F, s4;
	s6 =	sshrl.u32 s11, $0xA  }
0x26: {  	s4 =	smul.u32 $0x5, s4;
	s6 =	sand.u32 $0x3F, s6  }
0x27: {  	s10 =	simm.s32 $0x200;
	s6 =	smul.u32 $0x5, s6  }
0x28: {  	[tilespmem:s22], [sflag:$0x5] =	stream.indirect.gather [hbm4b:s2+s13], $0x80, s10, s13, $0xb8;
	[tilespmem:$0x15900] =	vst v63  }
0x29: {  	s16 =	simm.s32 $0x6;
	s4 =	ssub.s32 $0x5, s4;
	s6 =	ssub.s32 $0x5, s6  }
0x2a: {  	s17 =	smul.u32 $0xCD, s16;
	s9 =	sand.u32 $0xFF, s4;
	s6 =	sadd.s32 $0xFFFFFFFC, s6  }
0x2b: {  	s15 =	sshll.u32 s9, $0xE;
	s4 =	sadd.s32 $0x1, s9;
	s14 =	sand.u32 $0xFF, s6  }
0x2c: {  	s21 =	simm.s32 $0x280;
	s10 =	sadd.s32 $0x6, s9;
	s11 =	sadd.s32 $0x1, s14  }
0x2d: {  	s6 =	sor.u32 $0x1900, s15;
	s15 =	sshrl.u32 s17, $0xA;
	_ =	swait.ge [sflag:s11], $0x4000  }
0x2e: {  	s17 =	sadd.s32 $0xFFFFFCCC, s17;
	s18 =	sshll.u32 s14, $0xE;
	[sflag:s11] =	ssyncset.done $0x0  }
0x2f: {  	s7 =	sadd.s32 $0x6, s14;
	s14 =	sor.u32 $0x1900, s18;
	[sflag:s11] =	ssyncadd.s32 $0xFFFFC000  }
0x30: {  	[hbm4b:s5+s3] =	stream.linear.scatter [tilespmem:s14], [sflag:s7], $0x4000, $0x38;
	[tilespmem:$0x15900] =	vst v63  }
0x31: {  	s8 =	simm.s32 $0x7;
	s9 =	sshrl.u32 s17, $0xA;
	_ =	swait.ge [sflag:s10], $0x4000  }
0x32: {  	s18 =	simm.s32 $0x300;
	s7 =	sand.u32 $0x3F, s15;
	[sflag:s10] =	ssyncset.done $0x0  }
0x33: {  	s11 =	smov.u32 s5;
	s7 =	smul.u32 $0x5, s7;
	[sflag:s10] =	ssyncadd.s32 $0xFFFFC000  }
.LBB2_2:
0x34: {  	s9 =	sand.u32 $0x3F, s9  }
0x35: {  	s11 =	sadd.s32 $0x800, s11;
	s10 =	smov.u32 s8;
	s14 =	sadd.s32 $0x1, s8  }
0x36: {  	p0 =	sne.s32 s8, $0x31;
	s8 =	smul.u32 $0x5, s9;
	s7 =	ssub.s32 s16, s7  }
0x37: {  	[tilespmem:s6], [sflag:s4] =	stream.indirect.gather [hbm4b:s2+s13], $0x80, s21, s13, $0xb8;
	[tilespmem:$0x15900] =	vst v63  }
0x38: {  	s7 =	sand.u32 $0xFF, s7;
	s4 =	ssub.s32 s16, s8;
	s16 =	smov.u32 s10  }
0x39: {  	s8 =	sshll.u32 s7, $0xE;
	s6 =	sadd.s32 $0xFFFFFFFC, s4;
	s4 =	sadd.s32 $0x1, s7  }
0x3a: {  	s21 =	smov.u32 s18;
	s9 =	sand.u32 $0xFF, s6;
	s6 =	sor.u32 $0x1900, s8  }
0x3b: {  	s8 =	sadd.s32 $0x1, s9;
	s10 =	sshll.u32 s9, $0xE  }
0x3c: {  	s18 =	sadd.s32 $0x80, s18;
	s17 =	sadd.s32 $0x6, s7;
	_ =	swait.ge [sflag:s8], $0x4000  }
0x3d: {  	s15 =	smul.u32 $0xCD, s16;
	s7 =	sadd.s32 $0x6, s9;
	[sflag:s8] =	ssyncset.done $0x0  }
.Ltmp0:
0x3e: {  	[sflag:s8] =	ssyncadd.s32 $0xFFFFC000;
	s8 =	sor.u32 $0x1900, s10;
	(pc) =	sbr.rel @p0 .LBB2_2-.Ltmp0, $4  }
0x3f: {  	[hbm4b:s11+s3] =	stream.linear.scatter [tilespmem:s8], [sflag:s7], $0x4000, $0x38;
	[tilespmem:$0x15900] =	vst v63  }
0x40: {  	s7 =	sshrl.u32 s15, $0xA;
	s8 =	sadd.s32 $0xFFFFFCCC, s15;
	_ =	swait.ge [sflag:s17], $0x4000  }
0x41: {  	s7 =	sand.u32 $0x3F, s7;
	s9 =	sshrl.u32 s8, $0xA;
	[sflag:s17] =	ssyncset.done $0x0  }
0x42: {  	s8 =	smov.u32 s14;
	s7 =	smul.u32 $0x5, s7;
	[sflag:s17] =	ssyncadd.s32 $0xFFFFC000  }
0x43: {  	s8 =	sand.u32 $0x3F, s9  }
0x44: {  	s8 =	smul.u32 $0x5, s8  }
0x45: {  	[tilespmem:s6], [sflag:s4] =	stream.indirect.gather [hbm4b:s2+s13], $0x80, s21, s13, $0xb8;
	[tilespmem:$0x15900] =	vst v63  }
0x46: {  	s14 =	ssub.s32 s16, s8  }
0x47: {  	s4 =	sadd.s32 $0xFFFFFFFC, s14  }
0x48: {  	s4 =	sand.u32 $0xFF, s4  }
0x49: {  	s15 =	sadd.s32 $0x1, s4  }
0x4a: {  	s21 =	sadd.s32 $0x800, s11;
	_ =	swait.ge [sflag:s15], $0x4000  }
0x4b: {  	s9 =	ssub.s32 s16, s7;
	s17 =	sshll.u32 s4, $0xE;
	[sflag:s15] =	ssyncset.done $0x0  }
0x4c: {  	s4 =	sadd.s32 $0x6, s4;
	s6 =	sor.u32 $0x1900, s17;
	[sflag:s15] =	ssyncadd.s32 $0xFFFFC000  }
0x4d: {  	[hbm4b:s21+s3] =	stream.linear.scatter [tilespmem:s6], [sflag:s4], $0x4000, $0x38;
	[tilespmem:$0x15900] =	vst v63  }
0x4e: {  	s4 =	sand.u32 $0xFF, s9  }
0x4f: {  	s10 =	sadd.s32 $0x6, s4  }
0x50: {  	_ =	swait.ge [sflag:s10], $0x4000  }
0x51: {  	s11 =	sshll.u32 s4, $0xE;
	[sflag:s10] =	ssyncset.done $0x0  }
0x52: {  	s4 =	sadd.s32 $0x1, s4;
	s14 =	sor.u32 $0x1900, s11;
	[sflag:s10] =	ssyncadd.s32 $0xFFFFC000  }
0x53: {  	[tilespmem:s14], [sflag:s4] =	stream.indirect.gather [hbm4b:s2+s13], $0x80, s18, s13, $0xb8;
	[tilespmem:$0x15900] =	vst v63  }
0x54: {  	_ =	swait.ge [sflag:s23], $0x4000  }
0x55: {  	[sflag:s23] =	ssyncset.done $0x0  }
0x56: {  	s7 =	simm.s32 $0x5900;
	s15 =	rddreg [dreg:$0x7];
	[sflag:s23] =	ssyncadd.s32 $0xFFFFC000  }
0x57: {  	[hbm4b:s15+s3] =	stream.linear.scatter [tilespmem:s7], [sflag:$0x7], $0x4000, $0x38;
	[tilespmem:$0x15900] =	vst v63  }
0x58: {  	_ =	swait.ge [sflag:s24], $0x4000  }
0x59: {  	[sflag:s24] =	ssyncset.done $0x0  }
0x5a: {  	s8 =	simm.s32 $0x9900;
	s16 =	rddreg [dreg:$0x8];
	[sflag:s24] =	ssyncadd.s32 $0xFFFFC000  }
0x5b: {  	[hbm4b:s16+s3] =	stream.linear.scatter [tilespmem:s8], [sflag:$0x8], $0x4000, $0x38;
	[tilespmem:$0x15900] =	vst v63  }
0x5c: {  	_ =	swait.ge [sflag:s25], $0x4000  }
0x5d: {  	[sflag:s25] =	ssyncset.done $0x0  }
0x5e: {  	s17 =	rddreg [dreg:$0x9];
	[sflag:s25] =	ssyncadd.s32 $0xFFFFC000  }
0x5f: {  	[hbm4b:s17+s3] =	stream.linear.scatter [tilespmem:s19], [sflag:$0x9], $0x4000, $0x38;
	[tilespmem:$0x15900] =	vst v63  }
0x60: {  	_ =	swait.ge [sflag:s26], $0x4000  }
0x61: {  	[sflag:s26] =	ssyncset.done $0x0  }
0x62: {  	s18 =	rddreg [dreg:$0xa];
	[sflag:s26] =	ssyncadd.s32 $0xFFFFC000  }
0x63: {  	[hbm4b:s18+s3] =	stream.linear.scatter [tilespmem:s22], [sflag:$0xA], $0x4000, $0x38;
	[tilespmem:$0x15900] =	vst v63  }
0x64: {  	_ =	swait.ge [sflag:s28], $0x4000  }
0x65: {  	[sflag:s28] =	ssyncset.done $0x0  }
0x66: {  	[sflag:s28] =	ssyncadd.s32 $0xFFFFC000  }
0x67: {  	_ =	swait.ge [sflag:s29], $0x4000  }
0x68: {  	[sflag:s29] =	ssyncset.done $0x0  }
0x69: {  	[sflag:s29] =	ssyncadd.s32 $0xFFFFC000  }
0x6a: {  	_ =	swait.ge [sflag:s30], $0x4000  }
0x6b: {  	[sflag:s30] =	ssyncset.done $0x0  }
0x6c: {  	[sflag:s30] =	ssyncadd.s32 $0xFFFFC000  }
0x6d: {  	_ =	swait.ge [sflag:s31], $0x4000  }
0x6e: {  	[sflag:s31] =	ssyncset.done $0x0  }
0x6f: {  	[sflag:s31] =	ssyncadd.s32 $0xFFFFC000  }
0x70: {  	_ =	swait.ge [sflag:s1], $0x4000  }
0x71: {  	s0 =	sadd.s32 $0x1, s0;
	s21 =	rddreg [dreg:$0x6]  }
0x72: {  	p0 =	sne.s32 s0, s21  }
.Ltmp1:
0x73: {  	_ = 	snop;
	(pc) =	sbr.rel @p0 .LBB2_1-.Ltmp1, $3  }
0x74: {  	_ =	sdelay $0x1  }
0x75: {  	[sflag:s1] =	ssyncset.done $0x0  }
0x76: {  	[sflag:s1] =	ssyncadd.s32 $0xFFFFC000  }
0x77: {  	_ =	sfence.sel $0x180000  }
0x78: {  	[bflag:$0x0] =	sbarrier.arrive $0xFFFF  }
0x79: {  	_ =	strace $0x90000047  }
0x7a: {  	s0 =	stileid.u32;
	[bflag:$0x2] =	sbarrier.arrive $0xFFFF  }
0x7b: {  	p0 =	sne.s32 s0, $0x0;
	s0 =	rddreg [dreg:$0x3]  }
0x7c: {  	s0 =	sadd.s32 @!p0 $0x100000, s0  }
0x7d: {  	[sflag:s0] =	ssyncadd.tile.s32 @!p0 $0x1;
	_ =	shalt  }
.Lfunc_end2:
_tile_overlayer_lowered:
.L_overlay_start_2:
0x7e: {  	(tag) =	ssettag $0x2  }
0x7f: {  	s0 =	rddreg [dreg:$0x0];
	s2 =	stileid.u32  }
0x80: {  	s1 =	rddreg [dreg:$0x1];
	p0 =	sne.s32 s2, $0x0  }
0x81: {  	s3 =	rddreg [dreg:$0x2];
	[bflag:$0x3] =	sbarrier.arrive $0xFFFF;
	s2 =	simm.s32 @!p0 $0x1C0B  }
0x82: {  	[timem:s3], [sflag:s2] =	dma.local @!p0 [hbm:s0], s1  }
0x83: {  	s0 =	simm.s32 @!p0 $0xB  }
0x84: {  	_ =	swait.ge @!p0 [sflag:s0], s1  }
0x85: {  	s1 =	ssub.s32 @!p0 $0x0, s1;
	[sflag:s0] =	ssyncset.done @!p0 $0x0  }
0x86: {  	[sflag:s0] =	ssyncadd.s32 @!p0 s1  }
0x87: {  	[bflag:$0x3] =	sbarrier.arrive $0xFFFF  }
0x88: {  	_ =	shalt  }

</sc_bundles>
